<compile_context>
chip_gen: v7x
topology: tpu7x:2x2x1
jax: 0.10.2.dev20260603
libtpu: 0.0.44.dev20260713+nightly
codegen_flags: <defaults>
</compile_context>

<pallas_src>
import jax
import jax.numpy as jnp
from jax import lax
from jax.experimental import pallas as pl
from jax.experimental.pallas import tpu as pltpu
from jax.experimental.pallas import tpu_sc as plsc

BATCH = 16384
NF = 26
LANES = 16
NC = 2
NS = 16
NW = NC * NS
ROWS_PER_W = BATCH // NW
ELEMS_PER_W = ROWS_PER_W * NF
BCHUNKS = ROWS_PER_W // LANES
GCHUNK = 128
FIELD_DMAS = ROWS_PER_W // GCHUNK
OFFS_PAD = 32


def _lr_body(xt_hbm, table_hbm, offs_hbm, bias_hbm, out_hbm,
             x_v, idx_v, emb_v, offs_v, bias_v, out_v, sem):
    wid = lax.axis_index("s") * NC + lax.axis_index("c")
    row0 = wid * ROWS_PER_W

    pltpu.sync_copy(xt_hbm.at[:, pl.ds(row0, ROWS_PER_W)], x_v)
    pltpu.sync_copy(offs_hbm, offs_v)
    pltpu.sync_copy(bias_hbm, bias_v)
    bias_vec = bias_v[...]

    def idx_f(f, carry):
        off = plsc.load_gather(offs_v, [jnp.full((LANES,), f, jnp.int32)])

        def idx_b(c, carry2):
            idx_v[pl.ds(f * ROWS_PER_W + c * LANES, LANES)] = (
                x_v[f, pl.ds(c * LANES, LANES)] + off)
            return carry2

        lax.fori_loop(0, BCHUNKS, idx_b, 0)

        def fire_j(j, carry3):
            sl = pl.ds(f * ROWS_PER_W + j * GCHUNK, GCHUNK)
            pltpu.async_copy(table_hbm.at[idx_v.at[sl]], emb_v.at[sl], sem)
            return carry3

        lax.fori_loop(0, FIELD_DMAS, fire_j, 0)
        return carry

    lax.fori_loop(0, NF, idx_f, 0)

    pltpu.make_async_copy(table_hbm.at[idx_v], emb_v, sem).wait()

    def red_body(c, carry):
        def f_body(f, acc):
            return acc + emb_v[pl.ds(f * ROWS_PER_W + c * LANES, LANES)]

        s = lax.fori_loop(0, NF, f_body, jnp.zeros((LANES,), jnp.float32))
        s = s + bias_vec
        out_v[pl.ds(c * LANES, LANES)] = 1.0 / (1.0 + jnp.exp(-s))
        return carry

    lax.fori_loop(0, BCHUNKS, red_body, 0)

    pltpu.sync_copy(out_v, out_hbm.at[pl.ds(row0, ROWS_PER_W)])


def kernel(x, fc_weight, bias, offsets):
    xt = x.T
    table = fc_weight.reshape(-1)
    offs_pad = jnp.pad(offsets, (0, OFFS_PAD - NF))
    bias_pad = jnp.broadcast_to(bias, (LANES,)).astype(jnp.float32)

    mesh = plsc.VectorSubcoreMesh(core_axis_name="c", subcore_axis_name="s")
    run = pl.kernel(
        _lr_body,
        out_type=jax.ShapeDtypeStruct((BATCH,), jnp.float32),
        mesh=mesh,
        compiler_params=pltpu.CompilerParams(
            needs_layout_passes=False, use_tc_tiling_on_sc=False),
        scratch_types=[
            pltpu.VMEM((NF, ROWS_PER_W), jnp.int32),
            pltpu.VMEM((ELEMS_PER_W,), jnp.int32),
            pltpu.VMEM((ELEMS_PER_W,), jnp.float32),
            pltpu.VMEM((OFFS_PAD,), jnp.int32),
            pltpu.VMEM((LANES,), jnp.float32),
            pltpu.VMEM((ROWS_PER_W,), jnp.float32),
            pltpu.SemaphoreType.DMA,
        ],
    )
    return run(xt, table, offs_pad, bias_pad)

# --- scband reference (transcript-rebuilt; emitter-appended) ---
"""Pipeline reference for scband-lr-21345987461576 (READ-ONLY COPY).

The authoritative reference and input builder live on the scoring server;
editing this copy changes nothing except your own understanding.
"""

import jax, jax.numpy as jnp
import numpy as np

FIELD_DIMS = [100000] * 26


def setup_inputs(seed: int = 0) -> dict:
    key = jax.random.key(seed)
    k1, k2 = jax.random.split(key, 2)
    batch = 16384
    n_fields = len(FIELD_DIMS)
    # per-field indices in [0, field_dim)
    x = jax.random.randint(k1, (batch, n_fields), 0, 100000).astype(jnp.int32)
    total_rows = int(sum(FIELD_DIMS))
    fc_weight = jax.random.normal(k2, (total_rows, 1), dtype=jnp.float32) * 0.01
    bias = jnp.zeros((1,), dtype=jnp.float32)
    offsets = jnp.asarray(np.concatenate([[0], np.cumsum(FIELD_DIMS)[:-1]]).astype(np.int32))
    return {"x": x, "fc_weight": fc_weight, "bias": bias, "offsets": offsets}


def reference(x, fc_weight, bias, offsets):
    # x: [batch, field_num] int; offsets: [field_num] int
    idx = x + offsets[None, :]               # global row ids into the LR table
    emb = jnp.take(fc_weight, idx, axis=0)   # [batch, field_num, 1] gather
    s = jnp.sum(emb, axis=1) + bias          # [batch, 1]
    out = jax.nn.sigmoid(jnp.squeeze(s, axis=1))  # [batch]
    return out

if __name__ == "__main__":
    import jax
    _d = setup_inputs()
    print(jax.jit(kernel)(*tuple(_d.values())))

</pallas_src>

<mosaic_0001>
#map = affine_map<(d0, d1) -> (0, 0)>
#map1 = affine_map<(d0, d1) -> (0)>
module attributes {stable_mosaic.version = 14 : i64} {
  func.func @_lr_body(%arg0: i32, %arg1: i32, %arg2: memref<26x16384xi32, #tpu.memory_space<hbm>>, %arg3: memref<2600000xf32, #tpu.memory_space<hbm>>, %arg4: memref<32xi32, #tpu.memory_space<hbm>>, %arg5: memref<16xf32, #tpu.memory_space<hbm>>, %arg6: memref<16384xf32, #tpu.memory_space<hbm>>, %arg7: memref<26x512xi32, #tpu.memory_space<vmem>>, %arg8: memref<13312xi32, #tpu.memory_space<vmem>>, %arg9: memref<13312xf32, #tpu.memory_space<vmem>>, %arg10: memref<32xi32, #tpu.memory_space<vmem>>, %arg11: memref<16xf32, #tpu.memory_space<vmem>>, %arg12: memref<512xf32, #tpu.memory_space<vmem>>, %arg13: memref<!tpu.dma_semaphore, #tpu.memory_space<semaphore_mem>>) attributes {dimension_semantics = [#tpu.dimension_semantics<core_parallel>, #tpu.dimension_semantics<subcore_parallel>], iteration_bounds = array<i64: 2, 16>, scalar_prefetch = 0 : i64, scratch_operands = 7 : i64, tpu.core_type = #tpu.core_type<sc_vector_subcore>, window_params = [{transform_indices = #map}, {transform_indices = #map1}, {transform_indices = #map1}, {transform_indices = #map1}, {transform_indices = #map1}]} {
    %mul3A = arith.constant 2 : i32
    %mul3A_0 = arith.muli %arg1, %mul3A : i32
    %add3A = arith.addi %mul3A_0, %arg0 : i32
    %mul3A_1 = arith.constant 512 : i32
    %mul3A_2 = arith.muli %add3A, %mul3A_1 : i32
    "tpu.region"() ({
      %run_scoped3A = tpu.sem_alloc : memref<!tpu.dma_semaphore, #tpu.memory_space<semaphore_mem>>
      %dma_start3A = arith.constant 0 : i32
      %dma_start3A_16 = tpu.memref_slice %arg2[%dma_start3A, %mul3A_2] : memref<26x16384xi32, #tpu.memory_space<hbm>> -> memref<26x512xi32, #tpu.memory_space<hbm>>
      %dma_start3A_17 = arith.constant 0 : i32
      %dma_start3A_18 = tpu.memref_slice %arg2[%dma_start3A_17, %mul3A_2] : memref<26x16384xi32, #tpu.memory_space<hbm>> -> memref<26x512xi32, #tpu.memory_space<hbm>>
      tpu.enqueue_dma source(%dma_start3A_18 : memref<26x512xi32, #tpu.memory_space<hbm>>) target(%arg7 : memref<26x512xi32, #tpu.memory_space<vmem>>) target_semaphore(%run_scoped3A : memref<!tpu.dma_semaphore, #tpu.memory_space<semaphore_mem>>)
      %dma_wait3A_19 = arith.constant 0 : i32
      %dma_wait3A_20 = tpu.memref_slice %arg2[%dma_wait3A_19, %mul3A_2] : memref<26x16384xi32, #tpu.memory_space<hbm>> -> memref<26x512xi32, #tpu.memory_space<hbm>>
      %dma_wait3A_21 = arith.constant 0 : i32
      %dma_wait3A_22 = tpu.memref_slice %arg2[%dma_wait3A_21, %mul3A_2] : memref<26x16384xi32, #tpu.memory_space<hbm>> -> memref<26x512xi32, #tpu.memory_space<hbm>>
      tpu.wait_dma2 semaphore(%run_scoped3A : memref<!tpu.dma_semaphore, #tpu.memory_space<semaphore_mem>>) src(%dma_wait3A_22 : memref<26x512xi32, #tpu.memory_space<hbm>>) dst(%arg7 : memref<26x512xi32, #tpu.memory_space<vmem>>)
      tpu.yield
    }) : () -> ()
    "tpu.region"() ({
      %run_scoped3A = tpu.sem_alloc : memref<!tpu.dma_semaphore, #tpu.memory_space<semaphore_mem>>
      tpu.enqueue_dma source(%arg4 : memref<32xi32, #tpu.memory_space<hbm>>) target(%arg10 : memref<32xi32, #tpu.memory_space<vmem>>) target_semaphore(%run_scoped3A : memref<!tpu.dma_semaphore, #tpu.memory_space<semaphore_mem>>)
      tpu.wait_dma2 semaphore(%run_scoped3A : memref<!tpu.dma_semaphore, #tpu.memory_space<semaphore_mem>>) src(%arg4 : memref<32xi32, #tpu.memory_space<hbm>>) dst(%arg10 : memref<32xi32, #tpu.memory_space<vmem>>)
      tpu.yield
    }) : () -> ()
    "tpu.region"() ({
      %run_scoped3A = tpu.sem_alloc : memref<!tpu.dma_semaphore, #tpu.memory_space<semaphore_mem>>
      tpu.enqueue_dma source(%arg5 : memref<16xf32, #tpu.memory_space<hbm>>) target(%arg11 : memref<16xf32, #tpu.memory_space<vmem>>) target_semaphore(%run_scoped3A : memref<!tpu.dma_semaphore, #tpu.memory_space<semaphore_mem>>)
      tpu.wait_dma2 semaphore(%run_scoped3A : memref<!tpu.dma_semaphore, #tpu.memory_space<semaphore_mem>>) src(%arg5 : memref<16xf32, #tpu.memory_space<hbm>>) dst(%arg11 : memref<16xf32, #tpu.memory_space<vmem>>)
      tpu.yield
    }) : () -> ()
    %get3A = arith.constant 0 : index
    %get3A_3 = tpu.vector_load %arg11[%get3A] {strides = array<i32>} : memref<16xf32, #tpu.memory_space<vmem>>, vector<16xf32>,
    %scan3A = arith.constant 0 : i32
    %scan3A_4 = arith.constant 0 : i32
    %scan3A_5 = arith.constant 26 : i32
    %scan3A_6 = arith.addi %scan3A_4, %scan3A_5 : i32
    %scan3A_7 = arith.constant 1 : i32
    scf.for %scan3A_16 = %scan3A_4 to %scan3A_6 step %scan3A_7  : i32 {
      %broadcast_in_dim3A = vector.broadcast %scan3A_16 : i32 to vector<16xi32>
      %gather3A = tpu.vector_load_idx %arg10[%broadcast_in_dim3A] : memref<32xi32, #tpu.memory_space<vmem>>[vector<16xi32>], vector<16xi32>,
      %scan3A_17 = arith.constant 0 : i32
      %scan3A_18 = arith.constant 0 : i32
      %scan3A_19 = arith.constant 32 : i32
      %scan3A_20 = arith.addi %scan3A_18, %scan3A_19 : i32
      %scan3A_21 = arith.constant 1 : i32
      scf.for %scan3A_29 = %scan3A_18 to %scan3A_20 step %scan3A_21  : i32 {
        %mul3A_30 = arith.constant 16 : i32
        %mul3A_31 = arith.muli %scan3A_29, %mul3A_30 : i32
        %get3A_32 = arith.index_cast %scan3A_16 : i32 to index
        %get3A_33 = arith.index_cast %mul3A_31 : i32 to index
        %get3A_34 = tpu.vector_load %arg7[%get3A_32, %get3A_33] {strides = array<i32>} : memref<26x512xi32, #tpu.memory_space<vmem>>, vector<16xi32>,
        %add3A_35 = arith.addi %get3A_34, %gather3A : vector<16xi32>
        %mul3A_36 = arith.constant 512 : i32
        %mul3A_37 = arith.muli %scan3A_16, %mul3A_36 : i32
        %mul3A_38 = arith.constant 16 : i32
        %mul3A_39 = arith.muli %scan3A_29, %mul3A_38 : i32
        %add3A_40 = arith.addi %mul3A_37, %mul3A_39 : i32
        %swap3A = arith.index_cast %add3A_40 : i32 to index
        %swap3A_41 = tpu.vector_load %arg8[%swap3A] {strides = array<i32>} : memref<13312xi32, #tpu.memory_space<vmem>>, vector<16xi32>,
        tpu.vector_store %arg8[%swap3A], %add3A_35 {strides = array<i32>} : memref<13312xi32, #tpu.memory_space<vmem>>, vector<16xi32>,
      }
      %scan3A_22 = arith.constant 32 : i32
      %scan3A_23 = arith.constant 0 : i32
      %scan3A_24 = arith.constant 0 : i32
      %scan3A_25 = arith.constant 4 : i32
      %scan3A_26 = arith.addi %scan3A_24, %scan3A_25 : i32
      %scan3A_27 = arith.constant 1 : i32
      scf.for %scan3A_29 = %scan3A_24 to %scan3A_26 step %scan3A_27  : i32 {
        %mul3A_30 = arith.constant 512 : i32
        %mul3A_31 = arith.muli %scan3A_16, %mul3A_30 : i32
        %mul3A_32 = arith.constant 128 : i32
        %mul3A_33 = arith.muli %scan3A_29, %mul3A_32 : i32
        %add3A_34 = arith.addi %mul3A_31, %mul3A_33 : i32
        %dma_start3A = tpu.memref_slice %arg9[%add3A_34] : memref<13312xf32, #tpu.memory_space<vmem>> -> memref<128xf32, #tpu.memory_space<vmem>>
        %dma_start3A_35 = tpu.memref_slice %arg8[%add3A_34] : memref<13312xi32, #tpu.memory_space<vmem>> -> memref<128xi32, #tpu.memory_space<vmem>>
        %dma_start3A_36 = arith.constant 0 : i32
        %dma_start3A_37 = tpu.memref_slice %arg3[%dma_start3A_36] : memref<2600000xf32, #tpu.memory_space<hbm>> -> memref<2600000xf32, #tpu.memory_space<hbm>>
        tpu.enqueue_indirect_dma source(%dma_start3A_37 : memref<2600000xf32, #tpu.memory_space<hbm>>) target(%dma_start3A : memref<128xf32, #tpu.memory_space<vmem>>) offsets(%dma_start3A_35 : memref<128xi32, #tpu.memory_space<vmem>>) semaphore(%arg13 : memref<!tpu.dma_semaphore, #tpu.memory_space<semaphore_mem>>)
      }
      %scan3A_28 = arith.constant 4 : i32
    }
    %scan3A_8 = arith.constant 26 : i32
    %dma_wait3A = arith.constant 0 : i32
    %dma_wait3A_9 = tpu.memref_slice %arg3[%dma_wait3A] : memref<2600000xf32, #tpu.memory_space<hbm>> -> memref<2600000xf32, #tpu.memory_space<hbm>>
    tpu.wait_indirect_dma semaphore(%arg13 : memref<!tpu.dma_semaphore, #tpu.memory_space<semaphore_mem>>) src(%dma_wait3A_9 : memref<2600000xf32, #tpu.memory_space<hbm>>) dst(%arg9 : memref<13312xf32, #tpu.memory_space<vmem>>)
    %scan3A_10 = arith.constant 0 : i32
    %scan3A_11 = arith.constant 0 : i32
    %scan3A_12 = arith.constant 32 : i32
    %scan3A_13 = arith.addi %scan3A_11, %scan3A_12 : i32
    %scan3A_14 = arith.constant 1 : i32
    scf.for %scan3A_16 = %scan3A_11 to %scan3A_13 step %scan3A_14  : i32 {
      %broadcast_in_dim3A = arith.constant 0.000000e+00 : f32
      %broadcast_in_dim3A_17 = vector.broadcast %broadcast_in_dim3A : f32 to vector<16xf32>
      %scan3A_18 = arith.constant 0 : i32
      %scan3A_19 = arith.constant 26 : i32
      %scan3A_20 = arith.addi %scan3A_18, %scan3A_19 : i32
      %scan3A_21 = arith.constant 1 : i32
      %scan3A_22 = scf.for %scan3A_35 = %scan3A_18 to %scan3A_20 step %scan3A_21 iter_args(%scan3A_36 = %broadcast_in_dim3A_17) -> (vector<16xf32>)  : i32 {
        %mul3A_37 = arith.constant 512 : i32
        %mul3A_38 = arith.muli %scan3A_35, %mul3A_37 : i32
        %mul3A_39 = arith.constant 16 : i32
        %mul3A_40 = arith.muli %scan3A_16, %mul3A_39 : i32
        %add3A_41 = arith.addi %mul3A_38, %mul3A_40 : i32
        %get3A_42 = arith.index_cast %add3A_41 : i32 to index
        %get3A_43 = tpu.vector_load %arg9[%get3A_42] {strides = array<i32>} : memref<13312xf32, #tpu.memory_space<vmem>>, vector<16xf32>,
        %add3A_44 = arith.addf %scan3A_36, %get3A_43 : vector<16xf32>
        scf.yield %add3A_44 : vector<16xf32>
      }
      %scan3A_23 = arith.constant 26 : i32
      %add3A_24 = arith.addf %scan3A_22, %get3A_3 : vector<16xf32>
      %neg3A = arith.constant 0.000000e+00 : f32
      %neg3A_25 = vector.broadcast %neg3A : f32 to vector<16xf32>
      %neg3A_26 = arith.subf %neg3A_25, %add3A_24 : vector<16xf32>
      %exp3A = math.exp %neg3A_26 : vector<16xf32>
      %add3A_27 = arith.constant 1.000000e+00 : f32
      %add3A_28 = vector.broadcast %add3A_27 : f32 to vector<16xf32>
      %add3A_29 = arith.addf %add3A_28, %exp3A : vector<16xf32>
      %div3A = arith.constant 1.000000e+00 : f32
      %div3A_30 = vector.broadcast %div3A : f32 to vector<16xf32>
      %div3A_31 = arith.divf %div3A_30, %add3A_29 : vector<16xf32>
      %mul3A_32 = arith.constant 16 : i32
      %mul3A_33 = arith.muli %scan3A_16, %mul3A_32 : i32
      %swap3A = arith.index_cast %mul3A_33 : i32 to index
      %swap3A_34 = tpu.vector_load %arg12[%swap3A] {strides = array<i32>} : memref<512xf32, #tpu.memory_space<vmem>>, vector<16xf32>,
      tpu.vector_store %arg12[%swap3A], %div3A_31 {strides = array<i32>} : memref<512xf32, #tpu.memory_space<vmem>>, vector<16xf32>,
    }
    %scan3A_15 = arith.constant 32 : i32
    "tpu.region"() ({
      %run_scoped3A = tpu.sem_alloc : memref<!tpu.dma_semaphore, #tpu.memory_space<semaphore_mem>>
      %dma_start3A = tpu.memref_slice %arg6[%mul3A_2] : memref<16384xf32, #tpu.memory_space<hbm>> -> memref<512xf32, #tpu.memory_space<hbm>>
      %dma_start3A_16 = tpu.memref_slice %arg6[%mul3A_2] : memref<16384xf32, #tpu.memory_space<hbm>> -> memref<512xf32, #tpu.memory_space<hbm>>
      tpu.enqueue_dma source(%arg12 : memref<512xf32, #tpu.memory_space<vmem>>) target(%dma_start3A_16 : memref<512xf32, #tpu.memory_space<hbm>>) target_semaphore(%run_scoped3A : memref<!tpu.dma_semaphore, #tpu.memory_space<semaphore_mem>>)
      %dma_wait3A_17 = tpu.memref_slice %arg6[%mul3A_2] : memref<16384xf32, #tpu.memory_space<hbm>> -> memref<512xf32, #tpu.memory_space<hbm>>
      %dma_wait3A_18 = tpu.memref_slice %arg6[%mul3A_2] : memref<16384xf32, #tpu.memory_space<hbm>> -> memref<512xf32, #tpu.memory_space<hbm>>
      tpu.wait_dma2 semaphore(%run_scoped3A : memref<!tpu.dma_semaphore, #tpu.memory_space<semaphore_mem>>) src(%arg12 : memref<512xf32, #tpu.memory_space<vmem>>) dst(%dma_wait3A_18 : memref<512xf32, #tpu.memory_space<hbm>>)
      tpu.yield
    }) : () -> ()
    return
  }
}

</mosaic_0001>

<sc_bundles>
// kernel: kernel.3.cloned.1.call-start
scs
__scs_entry_jumppad:
0x0: {  	(pc) =	sbr.rel $0x88, $3  }
0x1: {  	(tag) =	ssettag $0x0;
	lr =	simm.s32 $0x1  }
0x2: {  	[smem:$0x3F9D] =	sst lr;
	_ =	strace $0xD0000000  }
0x3: {  	_ = 	snop  }
0x4: {  	_ = 	snop  }
0x5: {  	_ = 	snop  }
0x6: {  	_ = 	snop  }
0x7: {  	_ = 	snop  }
__scs_overlays_trampoline_lowered:
0x8: {  	[smem:$0x3FAC] =	sst s0  }
0x9: {  	[smem:$0x3FAD] =	sst s1  }
0xa: {  	[smem:$0x3FAE] =	sst s2  }
0xb: {  	[smem:$0x3FAF] =	sst s3  }
0xc: {  	[smem:$0x3FB0] =	sst s4  }
0xd: {  	[smem:$0x3FB1] =	sst s5  }
0xe: {  	[smem:$0x3FB2] =	sst s6  }
0xf: {  	[smem:$0x3FB3] =	sst s7  }
0x10: {  	[smem:$0x3FB4] =	sst s8  }
0x11: {  	[smem:$0x3FB5] =	sst s9;
	s0 =	simm.s32 @!p0 $0x0  }
0x12: {  	s1 =	sld [smem:$0x3F9B];
	s0 =	simm.s32 @p0 $0x1  }
0x13: {  	[smem:$0x3FB6] =	sst s0;
	s0 =	simm.s32 @!p1 $0x0  }
0x14: {  	s2 =	sld [smem:$0x3F9A];
	s0 =	simm.s32 @p1 $0x1  }
0x15: {  	[smem:$0x3FB7] =	sst s0;
	s0 =	simm.s32 @!p2 $0x0  }
0x16: {  	s3 =	sld [smem:$0x3FDB];
	s0 =	simm.s32 @p2 $0x1  }
0x17: {  	s4 =	simm.s32 $0x1BF5;
	[smem:$0x3FB9] =	sst s0  }
0x18: {  	s0 =	sld [smem:$0x3F9C];
	_ =	swait.ge [sflag:s4], $0x0  }
0x19: {  	s7 =	sld [smem:$0x3F9D]  }
0x1a: {  	s8 =	sadd.s32 $0xFFFFE003, lr  }
0x1b: {  	s9 =	sadd.s32 $0xFFFFFEF7, lr;
	s5 =	simm.s32 $0xFFFFFFFF;
	p2 =	slt.u32 s8, $0xFFFFF086  }
0x1c: {  	p1 =	slt.u32 s9, $0xF7A;
	s5 =	simm.s32 @!p2 $0x0  }
0x1d: {  	s5 =	simm.s32 @p1 $0x1;
	p0 =	seq.s32 s7, s2  }
0x1e: {  	s7 =	smul.u32 @!p0 $0xF7A, s2;
	p2 =	seq.s32 @!p0 s5, $0x0  }
0x1f: {  	s9 =	smul.u32 $0xF7A, s1;
	s8 =	simm.s32 @!p0 $0x1BF5;
	p2 =	por !p2, p0  }
0x20: {  	[sflag:s8] =	ssyncset.s32 @!p0 $0xFFFFF086;
	s6 =	sadd.s32 @!p0 s3, s7;
	s7 =	simm.s32 @!p0 $0x108  }
0x21: {  	s3 =	sadd.s32 s3, s9;
	s6 =	sadd.s32 @!p0 $0x88, s6;
	s7 =	simm.s32 @p2 $0x1082  }
0x22: {  	[simem:s7], [sflag:s8] =	dma.local @!p0 [hbm:s6], $0xF7A  }
0x23: {  	s9 =	sor.u32 $0xD0000000, s2;
	s6 =	simm.s32 $0x108;
	_ =	swait.ge @!p0 [sflag:s8], $0x0  }
0x24: {  	s3 =	sadd.s32 $0x88, s3;
	s6 =	simm.s32 @!p1 $0x1082;
	[sflag:s4] =	ssyncset.s32 $0xFFFFF086  }
0x25: {  	[simem:s6], [sflag:s4] =	dma.local [hbm:s3], $0xF7A  }
0x26: {  	[smem:$0x3F9D] =	sst s1;
	(tag) =	ssettag s2;
	_ =	strace s9  }
0x27: {  	s1 =	sld [smem:$0x3FAD]  }
0x28: {  	s2 =	sld [smem:$0x3FAE]  }
0x29: {  	s4 =	sld [smem:$0x3FB0]  }
0x2a: {  	p0 =	seq.s32 s5, $0x0;
	s5 =	sld [smem:$0x3FB1]  }
0x2b: {  	s6 =	sld [smem:$0x3FB2]  }
0x2c: {  	s7 =	sld [smem:$0x3FB3]  }
0x2d: {  	s3 =	simm.s32 $0x108;
	s8 =	sld [smem:$0x3FB4]  }
0x2e: {  	s3 =	simm.s32 @!p0 $0x1082;
	s9 =	sld [smem:$0x3FB5]  }
0x2f: {  	lr =	sadd.s32 s0, s3;
	s0 =	sld [smem:$0x3FAC]  }
0x30: {  	s3 =	sld [smem:$0x3FAF]  }
0x31: {  	[smem:$0x3FB8] =	sst s10  }
0x32: {  	s10 =	sld [smem:$0x3FB6];
	_ =	sdelay $0x3  }
0x33: {  	p0 =	seq.s32 s10, $0x1;
	s10 =	sld [smem:$0x3FB8];
	_ =	sdelay $0x3  }
0x34: {  	[smem:$0x3FB8] =	sst s10  }
0x35: {  	s10 =	sld [smem:$0x3FB7];
	_ =	sdelay $0x3  }
0x36: {  	p1 =	seq.s32 s10, $0x1;
	s10 =	sld [smem:$0x3FB8];
	_ =	sdelay $0x3  }
0x37: {  	[smem:$0x3FB8] =	sst s10  }
0x38: {  	s10 =	sld [smem:$0x3FB9]  }
0x39: {  	_ = 	snop;
	(pc) =	sbr.ind lr, $3  }
0x3a: {  	_ = 	snop  }
0x3b: {  	_ = 	snop  }
0x3c: {  	p2 =	seq.s32 s10, $0x1;
	s10 =	sld [smem:$0x3FB8]  }
0x3d: {  	_ =	shalt  }
0x3e: {  	_ =	shalt  }
0x3f: {  	_ =	shalt  }
0x40: {  	_ =	shalt  }
0x41: {  	_ =	shalt  }
0x42: {  	_ =	shalt  }
0x43: {  	_ =	shalt  }
0x44: {  	_ =	shalt  }
0x45: {  	_ =	shalt  }
0x46: {  	_ =	shalt  }
0x47: {  	_ =	shalt  }
0x48: {  	_ =	shalt  }
0x49: {  	_ =	shalt  }
0x4a: {  	_ =	shalt  }
0x4b: {  	_ =	shalt  }
0x4c: {  	_ =	shalt  }
0x4d: {  	_ =	shalt  }
0x4e: {  	_ =	shalt  }
0x4f: {  	_ =	shalt  }
0x50: {  	_ =	shalt  }
0x51: {  	_ =	shalt  }
0x52: {  	_ =	shalt  }
0x53: {  	_ =	shalt  }
0x54: {  	_ =	shalt  }
0x55: {  	_ =	shalt  }
0x56: {  	_ =	shalt  }
0x57: {  	_ =	shalt  }
0x58: {  	_ =	shalt  }
0x59: {  	_ =	shalt  }
0x5a: {  	_ =	shalt  }
0x5b: {  	_ =	shalt  }
0x5c: {  	_ =	shalt  }
0x5d: {  	_ =	shalt  }
0x5e: {  	_ =	shalt  }
0x5f: {  	_ =	shalt  }
0x60: {  	_ =	shalt  }
0x61: {  	_ =	shalt  }
0x62: {  	_ =	shalt  }
0x63: {  	_ =	shalt  }
0x64: {  	_ =	shalt  }
0x65: {  	_ =	shalt  }
0x66: {  	_ =	shalt  }
0x67: {  	_ =	shalt  }
0x68: {  	_ =	shalt  }
0x69: {  	_ =	shalt  }
0x6a: {  	_ =	shalt  }
0x6b: {  	_ =	shalt  }
0x6c: {  	_ =	shalt  }
0x6d: {  	_ =	shalt  }
0x6e: {  	_ =	shalt  }
0x6f: {  	_ =	shalt  }
0x70: {  	_ =	shalt  }
0x71: {  	_ =	shalt  }
0x72: {  	_ =	shalt  }
0x73: {  	_ =	shalt  }
0x74: {  	_ =	shalt  }
0x75: {  	_ =	shalt  }
0x76: {  	_ =	shalt  }
0x77: {  	_ =	shalt  }
0x78: {  	_ =	shalt  }
0x79: {  	_ =	shalt  }
0x7a: {  	_ =	shalt  }
0x7b: {  	_ =	shalt  }
0x7c: {  	_ =	shalt  }
0x7d: {  	_ =	shalt  }
0x7e: {  	_ =	shalt  }
0x7f: {  	_ =	shalt  }
0x80: {  	_ =	shalt  }
0x81: {  	_ =	shalt  }
0x82: {  	_ =	shalt  }
0x83: {  	_ =	shalt  }
0x84: {  	_ =	shalt  }
0x85: {  	_ =	shalt  }
0x86: {  	_ =	shalt  }
0x87: {  	_ =	shalt  }
.Lfunc_end0:
.L_simem_size_0:
called_computation_lowered:
.L_overlay_start_0:
0x88: {  	s2 =	sld [smem:$0x3FD9]  }
0x89: {  	s3 =	sld [smem:$0x3FFE];
	_ =	sdelay $0x1  }
0x8a: {  	s1 =	srdreg.scid  }
0x8b: {  	s0 =	sand.u32 $0x1, s1  }
0x8c: {  	s17 =	sshll.u32 s0, $0xA;
	s2 =	sadd.s32 s3, s2  }
0x8d: {  	s2 =	sadd.s32 s2, s17  }
0x8e: {  	[smem:$0x3FC4] =	sst s2  }
0x8f: {  	_ = 	snop  }
0x90: {  	s2 =	sld [smem:$0x3FD0];
	(tm) =	ssettm $0x1  }
0x91: {  	s18 =	sld [smem:$0x3FFB];
	_ =	sdelay $0x3  }
0x92: {  	_ =	strace s18  }
0x93: {  	s3 =	sld [smem:$0x3FFC];
	_ =	sdelay $0x3  }
0x94: {  	_ =	strace s3  }
0x95: {  	s3 =	sld [smem:$0x3FFD];
	_ =	sdelay $0x3  }
0x96: {  	_ =	strace s3  }
0x97: {  	_ =	strace $0x8FFFFFFF  }
0x98: {  	s19 =	sld [smem:$0x3FDB];
	_ =	sdelay $0x1  }
0x99: {  	s4 =	simm.s32 $_scs_section_size  }
0x9a: {  	s5 =	simm.s32 $_size__tile_overlayer_lowered;
	s6 =	simm.s32 $_tile_overlayer_lowered  }
0x9b: {  	s22 =	simm.s32 $0x1BFF;
	s21 =	sshll.u32 s6, $0x1;
	s3 =	sadd.s32 s4, s19  }
0x9c: {  	s7 =	simm.s32 $0x0;
	s20 =	sshll.u32 s5, $0x1;
	s5 =	sadd.s32 s21, s3  }
0x9d: {  	[timem:s7], [sflag:s22] =	dma.local [hbm:s5], s20  }
0x9e: {  	_ =	swait.ge [sflag:s22], s20  }
0x9f: {  	s4 =	ssub.s32 $0x0, s20;
	[sflag:s22] =	ssyncset.done $0x0  }
0xa0: {  	[sflag:s22] =	ssyncadd.s32 s4;
	_ =	sdelay $0x1  }
0xa1: {  	s23 =	simm.s32 $0x1B8B  }
0xa2: {  	_ =	swait.ge [sflag:s23], $0x1  }
0xa3: {  	[sflag:s23] =	ssyncset.done $0x0  }
0xa4: {  	s25 =	simm.s32 $0x1B8E;
	s24 =	sld [smem:$0x3FFE];
	[sflag:s23] =	ssyncadd.s32 $0xFFFFFFFF  }
0xa5: {  	s26 =	simm.s32 $execute0_lowered;
	[smem:$0x3FD2] =	sst s25  }
0xa6: {  	s5 =	sshll.u32 s26, $0x1;
	_ =	strace $0x80000046;
	[dreg:$0x1] =	wrdreg $0xFFFFFFFF  }
0xa7: {  	s28 =	simm.s32 $_size_execute0_lowered;
	s3 =	sadd.s32 s3, s5;
	[dreg:$0x0] =	wrdreg $0x0  }
0xa8: {  	s5 =	sshll.u32 s28, $0x1;
	[dreg:$0x2] =	wrdreg s3  }
0xa9: {  	[dreg:$0x3] =	wrdreg s5  }
0xaa: {  	[dreg:$0x4] =	wrdreg $0xC0  }
0xab: {  	_ =	task [dreg:s7], $0x5FFFF  }
0xac: {  	[dreg:$0x1] =	wrdreg $0xFFFFFFFF  }
0xad: {  	[dreg:$0x0] =	wrdreg $0x60  }
0xae: {  	[dreg:$0x2] =	wrdreg s24  }
0xaf: {  	[dreg:$0x3] =	wrdreg s2  }
0xb0: {  	[dreg:$0x4] =	wrdreg $0x9  }
0xb1: {  	_ =	task.clear_ibuf [dreg:s7], $0x5FFFF;
	_ =	strace $0x90000046  }
0xb2: {  	s29 =	simm.s32 $0x9;
	_ =	strace $0x80000048  }
0xb3: {  	_ =	swait.ge [sflag:s29], $0x1  }
0xb4: {  	[sflag:s29] =	ssyncadd.s32 $0xFFFFFFFF  }
0xb5: {  	_ =	strace $0x90000048  }
0xb6: {  	_ =	sfence  }
0xb7: {  	s30 =	sld [smem:$0x0];
	_ =	sdelay $0x2  }
0xb8: {  	s31 =	sshll.u32 s1, $0xD;
	s1 =	sshrl.u32 s1, $0x2  }
0xb9: {  	s3 =	sand.u32 $0x4000, s31;
	s1 =	sadd.s32 s1, s30  }
0xba: {  	s0 =	sor.u32 s3, s0;
	s1 =	sshll.u32 s1, $0x11  }
0xbb: {  	s0 =	sor.u32 s1, s0  }
0xbc: {  	s0 =	sadd.s32 $0x8F2B, s0  }
0xbd: {  	[sflag:s0] =	ssyncadd.remote.s32 $0x1  }
0xbe: {  	_ =	sfence.sel $0xFFFF  }
0xbf: {  	[dreg:$0x0] =	wrdreg $0xFFFFFFFF;
	(pc) =	sbr.abs _section_cstart, $3  }
0xc0: {  	[dreg:$0x1] =	wrdreg $0xFFFFFFFF  }
0xc1: {  	_ =	task.clear_ibuf [dreg:s7], $0x2FFFF;
	_ =	strace $0x9FFFFFFF  }
0xc2: {  	(tm) =	ssettm $0x7FFFFFFF  }
0xc3: {  	_ =	shalt  }
tec
execute0_lowered:
.L_overlay_start_1:
0x0: {  	(tag) =	ssettag $0x1  }
0x1: {  	s6 =	rddreg [dreg:$0x0]  }
0x2: {  	s7 =	rddreg [dreg:$0x1]  }
0x3: {  	s0 =	rddreg [dreg:$0x2]  }
0x4: {  	s1 =	simm.s32 $0x0;
	s2 =	srdreg.scid;
	s12 =	simm.s32 $0x9C00  }
0x5: {  	s13 =	simm.s32 $0x9C20;
	s14 =	simm.s32 $0x80;
	s15 =	simm.s32 $0x1  }
0x6: {  	s16 =	simm.s32 $0x9C30;
	s17 =	simm.s32 $0x0;
	[smem:$0x7FF] =	sst s1  }
0x7: {  	s3 =	sadd.s32 $0xD200, s6;
	s5 =	sand.u32 $0x1, s2;
	s4 =	sadd.s32 $0xD000, s6  }
0x8: {  	s2 =	stileid.u32;
	_ =	strace $0x80000047;
	s8 =	ssub.s32 $0x2, s5  }
0x9: {  	s10 =	sshll.u32 s2, $0x7;
	s11 =	sshll.u32 s5, $0x6;
	s5 =	sadd.s32 $0x5C800, s6  }
0xa: {  	s9 =	sshrl.u32 s8, $0x1;
	s31 =	sor.u32 s11, s10;
	s10 =	simm.s32 $0x4000  }
0xb: {  	s11 =	simm.s32 $0x2;
	s8 =	ssub.s32 s8, s9;
	s6 =	sadd.s32 s6, s31  }
0xc: {  	s7 =	sadd.s32 s7, s31;
	s9 =	simm.s32 $0x200;
	s8 =	smax.u32 s8, $0x1  }
.LBB2_1:
0xd: {  	[tilespmem:s1], [sflag:$0x2] =	stream.strided.gather [hbm4b:s6+s9], $0x3400, s10, s9, $0x38;
	[tilespmem:$0x9E30] =	vst v63  }
0xe: {  	_ =	swait.ge [sflag:s11], $0x3400  }
0xf: {  	[sflag:s11] =	ssyncset.done $0x0  }
0x10: {  	[sflag:s11] =	ssyncadd.s32 $0xFFFFCC00  }
0x11: {  	[tilespmem:s12], [sflag:$0x2] =	stream.linear.gather [hbm4b:s4+s1], $0x20, $0x38;
	[tilespmem:$0x9E30] =	vst v63  }
0x12: {  	_ =	swait.ge [sflag:s11], $0x20  }
0x13: {  	[sflag:s11] =	ssyncset.done $0x0  }
0x14: {  	[sflag:s11] =	ssyncadd.s32 $0xFFFFFFE0  }
0x15: {  	[tilespmem:s13], [sflag:$0x2] =	stream.linear.gather [hbm4b:s5+s1], $0x10, $0x38;
	[tilespmem:$0x9E30] =	vst v63  }
0x16: {  	_ =	swait.ge [sflag:s11], $0x10  }
0x17: {  	[sflag:s11] =	ssyncset.done $0x0  }
0x18: {  	[sflag:s11] =	ssyncadd.s32 $0xFFFFFFF0  }
0x19: {  	s18 =	simm.s32 $0x3400;
	s19 =	simm.s32 $0x0;
	s20 =	simm.s32 $0x0;
	v0 =	vld [tilespmem:$0x9C20]  }
.LBB2_2:
0x1a: {  	v1 =	vmov s20  }
0x1b: {  	v3 =	vmov s19;
	_ =	sdelay $0x2  }
0x1c: {  	s21 =	sshll.u32 s20, $0x9  }
0x1d: {  	v2 =	vmov s18;
	s23 =	simm.s32 $0x0;
	s24 =	simm.s32 $0x40;
	s22 =	sadd.s32 $0x3400, s21;
	v1 =	vld.idx.msk [tilespmem:v1+s12+$0x0], $0xffff  }
.LBB2_3:
0x1e: {  	p0 =	seq.s32 s24, $0x7C0;
	v4 =	vld.idx.msk [tilespmem:v3+s23+$0x0 ss:$0x1], $0xffff;
	_ =	sdelay $0x2  }
.Ltmp0:
0x1f: {  	(pc) =	sbr.rel @!p0 .LBB2_3-.Ltmp0, $3  }
0x20: {  	_ =	sdelay $0x1  }
0x21: {  	v4 =	vadd.s32 v1, v4  }
0x22: {  	[tilespmem:v2+s23+$0x0 ss:$0x1] =	vst.idx.msk $0xffff, v4;
	s23 =	sshra.s32 s24, $0x2;
	s24 =	sadd.s32 $0x40, s24  }
0x23: {  	_ =	sdelay $0x3  }
0x24: {  	v3 =	vld.idx.msk [tilespmem:v3+s23+$0x0 ss:$0x1], $0xffff;
	_ =	sdelay $0x4  }
0x25: {  	v1 =	vadd.s32 v1, v3  }
0x26: {  	s24 =	sadd.s32 $0x6800, s21;
	s20 =	sadd.s32 $0x1, s20;
	[tilespmem:v2+s23+$0x0 ss:$0x1] =	vst.idx.msk $0xffff, v1  }
0x27: {  	[tilespmem:s24], [sflag:$0x1] =	stream.indirect.gather [hbm4b:s3+s14], $0x1, s22, s14, $0xb8;
	[tilespmem:$0x9E30] =	vst v63  }
0x28: {  	s25 =	sadd.s32 $0x6880, s21;
	s26 =	sadd.s32 $0x3480, s21;
	p0 =	seq.s32 s20, $0x1A  }
0x29: {  	[tilespmem:s25], [sflag:$0x1] =	stream.indirect.gather [hbm4b:s3+s14], $0x1, s26, s14, $0xb8;
	[tilespmem:$0x9E30] =	vst v63  }
.Ltmp1:
0x2a: {  	_ = 	snop;
	(pc) =	sbr.rel @!p0 .LBB2_2-.Ltmp1, $4  }
0x2b: {  	s28 =	sadd.s32 $0x6900, s21;
	s29 =	sadd.s32 $0x3500, s21;
	s30 =	sadd.s32 $0x6980, s21  }
0x2c: {  	[tilespmem:s28], [sflag:$0x1] =	stream.indirect.gather [hbm4b:s3+s14], $0x1, s29, s14, $0xb8;
	[tilespmem:$0x9E30] =	vst v63  }
0x2d: {  	s31 =	sadd.s32 $0x3580, s21;
	s18 =	sadd.s32 $0x200, s18;
	s19 =	sadd.s32 $0x200, s19  }
0x2e: {  	[tilespmem:s30], [sflag:$0x1] =	stream.indirect.gather [hbm4b:s3+s14], $0x1, s31, s14, $0xb8;
	[tilespmem:$0x9E30] =	vst v63  }
0x2f: {  	_ =	swait.ge [sflag:s15], $0x3400  }
0x30: {  	[sflag:s15] =	ssyncset.done $0x0  }
0x31: {  	s20 =	simm.s32 $0x0;
	[sflag:s15] =	ssyncadd.s32 $0xFFFFCC00  }
0x32: {  	v1 =	vld [tilespmem:s20+$0x6800];
	_ =	sdelay $0x1  }
0x33: {  	v2 =	vld [tilespmem:s20+$0x6A00];
	_ =	sdelay $0x1  }
0x34: {  	v3 =	vld [tilespmem:s20+$0x6C00]  }
0x35: {  	v1 =	vadd.f32 $0.0e+00, v1  }
0x36: {  	v4 =	vld [tilespmem:s20+$0x6E00]  }
0x37: {  	v1 =	vadd.f32 v2, v1  }
0x38: {  	v2 =	vld [tilespmem:s20+$0x7000]  }
0x39: {  	v1 =	vadd.f32 v3, v1  }
0x3a: {  	v3 =	vld [tilespmem:s20+$0x7200]  }
0x3b: {  	v1 =	vadd.f32 v4, v1  }
0x3c: {  	v4 =	vld [tilespmem:s20+$0x7400]  }
0x3d: {  	v1 =	vadd.f32 v2, v1  }
0x3e: {  	v2 =	vld [tilespmem:s20+$0x7600]  }
0x3f: {  	v1 =	vadd.f32 v3, v1  }
0x40: {  	v3 =	vld [tilespmem:s20+$0x7800]  }
0x41: {  	v1 =	vadd.f32 v4, v1  }
0x42: {  	v4 =	vld [tilespmem:s20+$0x7A00]  }
0x43: {  	v1 =	vadd.f32 v2, v1  }
0x44: {  	v2 =	vld [tilespmem:s20+$0x7C00]  }
0x45: {  	v1 =	vadd.f32 v3, v1  }
0x46: {  	v3 =	vld [tilespmem:s20+$0x7E00]  }
0x47: {  	v1 =	vadd.f32 v4, v1  }
0x48: {  	s18 =	simm.s32 $0x10;
	v4 =	vld [tilespmem:s20+$0x8000]  }
0x49: {  	v5 =	vld [tilespmem:s18+$0x6800];
	v1 =	vadd.f32 v2, v1  }
0x4a: {  	v2 =	vld [tilespmem:s20+$0x8200]  }
0x4b: {  	v6 =	vld [tilespmem:s18+$0x6A00];
	v1 =	vadd.f32 v3, v1  }
0x4c: {  	v3 =	vld [tilespmem:s20+$0x8400]  }
0x4d: {  	v7 =	vld [tilespmem:s18+$0x6C00];
	v1 =	vadd.f32 v4, v1  }
0x4e: {  	v4 =	vld [tilespmem:s20+$0x8600]  }
0x4f: {  	v8 =	vld [tilespmem:s18+$0x6E00];
	v5 =	vadd.f32 $0.0e+00, v5;
	v1 =	vadd.f32 v2, v1  }
0x50: {  	v2 =	vld [tilespmem:s20+$0x8800]  }
0x51: {  	v5 =	vadd.f32 v6, v5;
	v6 =	vld [tilespmem:s18+$0x7000];
	v1 =	vadd.f32 v3, v1  }
0x52: {  	v3 =	vld [tilespmem:s20+$0x8A00]  }
0x53: {  	v5 =	vadd.f32 v7, v5;
	v7 =	vld [tilespmem:s18+$0x7200];
	v1 =	vadd.f32 v4, v1  }
0x54: {  	v4 =	vld [tilespmem:s20+$0x8C00]  }
0x55: {  	v5 =	vadd.f32 v8, v5;
	v8 =	vld [tilespmem:s18+$0x7400];
	v1 =	vadd.f32 v2, v1  }
0x56: {  	v2 =	vld [tilespmem:s20+$0x8E00]  }
0x57: {  	v5 =	vadd.f32 v6, v5;
	v6 =	vld [tilespmem:s18+$0x7600];
	v1 =	vadd.f32 v3, v1  }
0x58: {  	v3 =	vld [tilespmem:s20+$0x9000]  }
0x59: {  	v5 =	vadd.f32 v7, v5;
	v7 =	vld [tilespmem:s18+$0x7800];
	v1 =	vadd.f32 v4, v1  }
0x5a: {  	v4 =	vld [tilespmem:s20+$0x9200]  }
0x5b: {  	v5 =	vadd.f32 v8, v5;
	v8 =	vld [tilespmem:s20+$0x9400];
	v1 =	vadd.f32 v2, v1  }
0x5c: {  	v2 =	vld [tilespmem:s18+$0x7A00]  }
0x5d: {  	v5 =	vadd.f32 v6, v5;
	v6 =	vld [tilespmem:s20+$0x9600];
	v1 =	vadd.f32 v3, v1  }
0x5e: {  	v3 =	vld [tilespmem:s18+$0x7C00]  }
0x5f: {  	v5 =	vadd.f32 v7, v5;
	v7 =	vld [tilespmem:s20+$0x9800];
	v1 =	vadd.f32 v4, v1  }
0x60: {  	v4 =	vld [tilespmem:s18+$0x7E00]  }
0x61: {  	v2 =	vadd.f32 v2, v5;
	v5 =	vld [tilespmem:s20+$0x9A00];
	v1 =	vadd.f32 v8, v1  }
0x62: {  	s19 =	simm.s32 $0x20;
	v8 =	vld [tilespmem:s18+$0x8000]  }
0x63: {  	v9 =	vld [tilespmem:s19+$0x6800];
	v2 =	vadd.f32 v3, v2;
	v1 =	vadd.f32 v6, v1  }
0x64: {  	v3 =	vld [tilespmem:s18+$0x8200]  }
0x65: {  	v6 =	vld [tilespmem:s19+$0x6A00];
	v2 =	vadd.f32 v4, v2;
	v1 =	vadd.f32 v7, v1  }
0x66: {  	v4 =	vld [tilespmem:s18+$0x8400]  }
0x67: {  	v7 =	vld [tilespmem:s19+$0x6C00];
	v2 =	vadd.f32 v8, v2;
	v1 =	vadd.f32 v5, v1  }
0x68: {  	v8 =	vadd.f32 $0.0e+00, v9;
	v5 =	vld [tilespmem:s18+$0x8600]  }
0x69: {  	v61 =	vld [tilespmem:s19+$0x6E00];
	v2 =	vadd.f32 v3, v2;
	v1 =	vadd.f32 v1, v0  }
0x6a: {  	v3 =	vld [tilespmem:s18+$0x8800];
	v6 =	vadd.f32 v6, v8  }
0x6b: {  	v8 =	vld [tilespmem:s19+$0x7000];
	v2 =	vadd.f32 v4, v2;
	v1 =	vsub.f32 $0.0e+00, v1  }
0x6c: {  	v4 =	vld [tilespmem:s18+$0x8A00];
	v6 =	vadd.f32 v7, v6  }
0x6d: {  	v7 =	vld [tilespmem:s19+$0x7200];
	v2 =	vadd.f32 v5, v2;
	v1 =	vmul.f32 $1.442695020e+00, v1  }
0x6e: {  	v5 =	vld [tilespmem:s18+$0x8C00];
	v6 =	vadd.f32 v61, v6  }
0x6f: {  	v62 =	vld [tilespmem:s19+$0x7400];
	v2 =	vadd.f32 v3, v2;
	(erf) = vpow2.f32 v1  }
0x70: {  	v3 =	vadd.f32 v8, v6;
	v1 =	vld [tilespmem:s18+$0x8E00]  }
0x71: {  	v6 =	vld [tilespmem:s19+$0x7600];
	v2 =	vadd.f32 v4, v2  }
0x72: {  	v4 =	vld [tilespmem:s18+$0x9000];
	v3 =	vadd.f32 v7, v3  }
0x73: {  	v7 =	vld [tilespmem:s19+$0x7800];
	v2 =	vadd.f32 v5, v2  }
0x74: {  	v5 =	vld [tilespmem:s18+$0x9200];
	v3 =	vadd.f32 v62, v3  }
0x75: {  	v8 =	vld [tilespmem:s19+$0x7A00];
	v1 =	vadd.f32 v1, v2  }
0x76: {  	v2 =	vld [tilespmem:s18+$0x9400];
	v3 =	vadd.f32 v6, v3  }
0x77: {  	v63 =	vld [tilespmem:s18+$0x9600];
	v1 =	vadd.f32 v4, v1  }
0x78: {  	v10 =	vld [tilespmem:s19+$0x7C00];
	v4 =	vadd.f32 v7, v3;
	v6 =	vpop (erf)  }
0x79: {  	v3 =	vld [tilespmem:s18+$0x9800];
	v5 =	vadd.f32 v5, v1;
	v6 =	vadd.f32 $1.000000000e+00, v6  }
0x7a: {  	v1 =	vld [tilespmem:s19+$0x7E00]  }
0x7b: {  	v7 =	vadd.f32 v8, v4;
	v4 =	vld [tilespmem:s18+$0x9A00];
	v8 =	vadd.f32 v2, v5;
	(erf) = vrcp.f32 v6  }
0x7c: {  	s21 =	simm.s32 $0x30;
	v2 =	vld [tilespmem:s19+$0x8000]  }
0x7d: {  	s22 =	simm.s32 $0x100;
	v5 =	vadd.f32 v10, v7;
	v6 =	vld [tilespmem:s21+$0x6800];
	v7 =	vadd.f32 v63, v8  }
.LBB2_6:
0x7e: {  	p0 =	sne.s32 s22, $0x7C0;
	v8 =	vld [tilespmem:s19+$0x8200]  }
0x7f: {  	v9 =	vld [tilespmem:s21+$0x6A00];
	v1 =	vadd.f32 v1, v5;
	v3 =	vadd.f32 v3, v7  }
0x80: {  	v5 =	vld [tilespmem:s19+$0x8400]  }
0x81: {  	v7 =	vld [tilespmem:s21+$0x6C00];
	v1 =	vadd.f32 v2, v1;
	v2 =	vadd.f32 v4, v3  }
0x82: {  	v3 =	vadd.f32 $0.0e+00, v6;
	v4 =	vld [tilespmem:s19+$0x8600]  }
0x83: {  	v6 =	vld [tilespmem:s21+$0x6E00];
	v1 =	vadd.f32 v8, v1;
	v2 =	vadd.f32 v2, v0  }
0x84: {  	v3 =	vadd.f32 v9, v3;
	v8 =	vld [tilespmem:s19+$0x8800];
	v9 =	vpop (erf)  }
0x85: {  	v10 =	vld [tilespmem:s21+$0x7000];
	v1 =	vadd.f32 v5, v1;
	v2 =	vsub.f32 $0.0e+00, v2;
	[tilespmem:s20+$0x9C30] =	vst v9;
	s20 =	smov.u32 s18;
	s18 =	smov.u32 s19;
	s19 =	smov.u32 s21  }
0x86: {  	v3 =	vadd.f32 v7, v3;
	v5 =	vld [tilespmem:s18+$0x8A00]  }
0x87: {  	v7 =	vld [tilespmem:s19+$0x7200];
	v1 =	vadd.f32 v4, v1;
	v2 =	vmul.f32 $1.442695020e+00, v2  }
0x88: {  	v3 =	vadd.f32 v6, v3;
	v4 =	vld [tilespmem:s18+$0x8C00]  }
0x89: {  	v6 =	vld [tilespmem:s19+$0x7400];
	v1 =	vadd.f32 v8, v1;
	(erf) = vpow2.f32 v2  }
0x8a: {  	v2 =	vadd.f32 v10, v3;
	v3 =	vld [tilespmem:s18+$0x8E00]  }
0x8b: {  	v8 =	vld [tilespmem:s19+$0x7600];
	v1 =	vadd.f32 v5, v1  }
0x8c: {  	v2 =	vadd.f32 v7, v2;
	v5 =	vld [tilespmem:s18+$0x9000]  }
0x8d: {  	v7 =	vld [tilespmem:s19+$0x7800];
	v1 =	vadd.f32 v4, v1  }
0x8e: {  	v2 =	vadd.f32 v6, v2;
	v4 =	vld [tilespmem:s18+$0x9200]  }
0x8f: {  	v1 =	vadd.f32 v3, v1;
	v6 =	vld [tilespmem:s18+$0x9400]  }
0x90: {  	v2 =	vadd.f32 v8, v2;
	v8 =	vld [tilespmem:s19+$0x7A00]  }
0x91: {  	v1 =	vadd.f32 v5, v1;
	v9 =	vld [tilespmem:s18+$0x9600]  }
0x92: {  	v2 =	vadd.f32 v7, v2;
	v5 =	vld [tilespmem:s19+$0x7C00];
	v7 =	vpop (erf)  }
.Ltmp2:
0x93: {  	v4 =	vadd.f32 v4, v1;
	v3 =	vld [tilespmem:s18+$0x9800];
	v7 =	vadd.f32 $1.000000000e+00, v7;
	(pc) =	sbr.rel @p0 .LBB2_6-.Ltmp2, $4  }
0x94: {  	v1 =	vld [tilespmem:s19+$0x7E00]  }
0x95: {  	v8 =	vadd.f32 v8, v2;
	v10 =	vadd.f32 v6, v4;
	v4 =	vld [tilespmem:s18+$0x9A00];
	(erf) = vrcp.f32 v7  }
0x96: {  	s21 =	sshra.s32 s22, $0x2;
	v2 =	vld [tilespmem:s19+$0x8000]  }
0x97: {  	s22 =	sadd.s32 $0x40, s22;
	v6 =	vld [tilespmem:s21+$0x6800];
	v5 =	vadd.f32 v5, v8;
	v7 =	vadd.f32 v9, v10  }
0x98: {  	_ = 	snop  }
0x99: {  	v3 =	vadd.f32 v3, v7  }
0x9a: {  	v25 =	vld [tilespmem:s21+$0x6A00]  }
0x9b: {  	v8 =	vld [tilespmem:s19+$0x8200];
	v3 =	vadd.f32 v4, v3  }
0x9c: {  	v26 =	vld [tilespmem:s21+$0x6C00]  }
0x9d: {  	v9 =	vld [tilespmem:s19+$0x8400];
	v6 =	vadd.f32 $0.0e+00, v6;
	v3 =	vadd.f32 v3, v0  }
0x9e: {  	v11 =	vld [tilespmem:s21+$0x6E00]  }
0x9f: {  	v10 =	vld [tilespmem:s19+$0x8600];
	v6 =	vadd.f32 v25, v6;
	v3 =	vsub.f32 $0.0e+00, v3  }
0xa0: {  	v13 =	vld [tilespmem:s21+$0x7000];
	v12 =	vpop (erf)  }
0xa1: {  	v27 =	vld [tilespmem:s19+$0x8800];
	[tilespmem:s20+$0x9C30] =	vst v12;
	v4 =	vadd.f32 v26, v6;
	v3 =	vmul.f32 $1.442695020e+00, v3  }
0xa2: {  	v28 =	vld [tilespmem:s21+$0x7200]  }
0xa3: {  	v4 =	vadd.f32 v11, v4;
	(erf) = vpow2.f32 v3  }
0xa4: {  	v29 =	vld [tilespmem:s21+$0x7400]  }
0xa5: {  	v4 =	vadd.f32 v13, v4  }
0xa6: {  	v1 =	vadd.f32 v1, v5;
	v30 =	vld [tilespmem:s21+$0x7600]  }
0xa7: {  	v4 =	vadd.f32 v28, v4  }
0xa8: {  	v1 =	vadd.f32 v2, v1;
	v32 =	vld [tilespmem:s21+$0x7800]  }
0xa9: {  	v31 =	vld [tilespmem:s19+$0x8A00];
	v3 =	vadd.f32 v29, v4  }
0xaa: {  	v1 =	vadd.f32 v8, v1;
	v34 =	vld [tilespmem:s21+$0x7A00]  }
0xab: {  	v33 =	vld [tilespmem:s19+$0x8C00];
	v3 =	vadd.f32 v30, v3  }
0xac: {  	v1 =	vadd.f32 v9, v1;
	v36 =	vld [tilespmem:s21+$0x7C00];
	v37 =	vpop (erf)  }
0xad: {  	v35 =	vld [tilespmem:s19+$0x8E00];
	v2 =	vadd.f32 v32, v3;
	v9 =	vadd.f32 $1.000000000e+00, v37  }
0xae: {  	v39 =	vld [tilespmem:s21+$0x7E00];
	v1 =	vadd.f32 v10, v1  }
0xaf: {  	v38 =	vld [tilespmem:s19+$0x9000];
	v2 =	vadd.f32 v34, v2;
	(erf) = vrcp.f32 v9  }
0xb0: {  	v41 =	vld [tilespmem:s21+$0x8000];
	v1 =	vadd.f32 v27, v1  }
0xb1: {  	v40 =	vld [tilespmem:s19+$0x9200];
	v2 =	vadd.f32 v36, v2  }
0xb2: {  	v43 =	vld [tilespmem:s21+$0x8200];
	v1 =	vadd.f32 v31, v1  }
0xb3: {  	v42 =	vld [tilespmem:s19+$0x9400];
	v2 =	vadd.f32 v39, v2  }
0xb4: {  	v45 =	vld [tilespmem:s21+$0x8400];
	v1 =	vadd.f32 v33, v1  }
0xb5: {  	v44 =	vld [tilespmem:s19+$0x9600];
	v2 =	vadd.f32 v41, v2  }
0xb6: {  	v47 =	vld [tilespmem:s21+$0x8600];
	v1 =	vadd.f32 v35, v1  }
0xb7: {  	v46 =	vld [tilespmem:s19+$0x9800];
	v2 =	vadd.f32 v43, v2  }
0xb8: {  	v49 =	vld [tilespmem:s21+$0x8800];
	v1 =	vadd.f32 v38, v1;
	v50 =	vpop (erf)  }
0xb9: {  	v48 =	vld [tilespmem:s19+$0x9A00];
	v2 =	vadd.f32 v45, v2;
	[tilespmem:s18+$0x9C30] =	vst v50  }
0xba: {  	v1 =	vadd.f32 v40, v1;
	v51 =	vld [tilespmem:s21+$0x8A00]  }
0xbb: {  	v2 =	vadd.f32 v47, v2  }
0xbc: {  	v1 =	vadd.f32 v42, v1;
	v5 =	vld [tilespmem:s21+$0x8C00]  }
0xbd: {  	v2 =	vadd.f32 v49, v2  }
0xbe: {  	v1 =	vadd.f32 v44, v1;
	v52 =	vld [tilespmem:s21+$0x8E00]  }
0xbf: {  	v2 =	vadd.f32 v51, v2  }
0xc0: {  	v1 =	vadd.f32 v46, v1;
	v53 =	vld [tilespmem:s21+$0x9000]  }
0xc1: {  	v2 =	vadd.f32 v5, v2  }
0xc2: {  	v1 =	vadd.f32 v48, v1;
	v54 =	vld [tilespmem:s21+$0x9200]  }
0xc3: {  	v2 =	vadd.f32 v52, v2  }
0xc4: {  	v1 =	vadd.f32 v1, v0;
	v55 =	vld [tilespmem:s21+$0x9400]  }
0xc5: {  	v2 =	vadd.f32 v53, v2  }
0xc6: {  	v1 =	vsub.f32 $0.0e+00, v1;
	v56 =	vld [tilespmem:s21+$0x9600]  }
0xc7: {  	v2 =	vadd.f32 v54, v2  }
0xc8: {  	v57 =	vld [tilespmem:s21+$0x9800];
	v1 =	vmul.f32 $1.442695020e+00, v1  }
0xc9: {  	v2 =	vadd.f32 v55, v2  }
0xca: {  	v58 =	vld [tilespmem:s21+$0x9A00];
	(erf) = vpow2.f32 v1  }
0xcb: {  	v2 =	vadd.f32 v56, v2;
	_ =	sdelay $0x1  }
0xcc: {  	v2 =	vadd.f32 v57, v2;
	_ =	sdelay $0x1  }
0xcd: {  	v1 =	vadd.f32 v58, v2;
	_ =	sdelay $0x1  }
0xce: {  	v59 =	vadd.f32 v1, v0;
	_ =	sdelay $0x1  }
0xcf: {  	v60 =	vpop (erf);
	v0 =	vsub.f32 $0.0e+00, v59  }
0xd0: {  	v1 =	vadd.f32 $1.000000000e+00, v60  }
0xd1: {  	v0 =	vmul.f32 $1.442695020e+00, v0  }
0xd2: {  	(erf) = vrcp.f32 v1  }
0xd3: {  	(erf) = vpow2.f32 v0;
	_ =	sdelay $0x7  }
0xd4: {  	v61 =	vpop (erf)  }
0xd5: {  	v62 =	vpop (erf)  }
0xd6: {  	v1 =	vadd.f32 $1.000000000e+00, v62;
	_ =	sdelay $0x1  }
0xd7: {  	(erf) = vrcp.f32 v1;
	_ =	sdelay $0x7  }
0xd8: {  	s17 =	sadd.s32 $0x1, s17  }
0xd9: {  	p0 =	sne.s32 s17, s8;
	[tilespmem:s19+$0x9C30] =	vst v61;
	v63 =	vpop (erf)  }
.Ltmp3:
0xda: {  	[tilespmem:s21+$0x9C30] =	vst v63;
	(pc) =	sbr.rel @p0 .LBB2_1-.Ltmp3, $4  }
0xdb: {  	[hbm4b:s7+s1] =	stream.linear.scatter [tilespmem:s16], [sflag:$0x2], $0x200, $0x38;
	[tilespmem:$0x9E30] =	vst v63  }
0xdc: {  	_ =	swait.ge [sflag:s11], $0x200  }
0xdd: {  	[sflag:s11] =	ssyncset.done $0x0  }
0xde: {  	[sflag:s11] =	ssyncadd.s32 $0xFFFFFE00  }
0xdf: {  	_ =	sfence.sel $0x180000  }
0xe0: {  	[bflag:$0x0] =	sbarrier.arrive $0xFFFF  }
0xe1: {  	p0 =	sne.s32 s2, $0x0;
	_ =	strace $0x90000047  }
0xe2: {  	s0 =	sadd.s32 @!p0 $0x100000, s0;
	[bflag:$0x2] =	sbarrier.arrive $0xFFFF  }
0xe3: {  	[sflag:s0] =	ssyncadd.tile.s32 @!p0 $0x1;
	_ =	shalt  }
.Lfunc_end2:
_tile_overlayer_lowered:
.L_overlay_start_2:
0xe4: {  	(tag) =	ssettag $0x2  }
0xe5: {  	s0 =	rddreg [dreg:$0x0];
	s2 =	stileid.u32  }
0xe6: {  	s1 =	rddreg [dreg:$0x1];
	p0 =	sne.s32 s2, $0x0  }
0xe7: {  	s3 =	rddreg [dreg:$0x2];
	[bflag:$0x3] =	sbarrier.arrive $0xFFFF;
	s2 =	simm.s32 @!p0 $0x1C02  }
0xe8: {  	[timem:s3], [sflag:s2] =	dma.local @!p0 [hbm:s0], s1  }
0xe9: {  	s0 =	simm.s32 @!p0 $0x2  }
0xea: {  	_ =	swait.ge @!p0 [sflag:s0], s1  }
0xeb: {  	s1 =	ssub.s32 @!p0 $0x0, s1;
	[sflag:s0] =	ssyncset.done @!p0 $0x0  }
0xec: {  	[sflag:s0] =	ssyncadd.s32 @!p0 s1  }
0xed: {  	[bflag:$0x3] =	sbarrier.arrive $0xFFFF  }
0xee: {  	_ =	shalt  }

</sc_bundles>
